<compile_context>
chip_gen: v7x
topology: tpu7x:2x2x1
jax: 0.10.2.dev20260603
libtpu: 0.0.44.dev20260713+nightly
codegen_flags: <defaults>
</compile_context>

<pallas_src>
import functools

import jax
import jax.numpy as jnp
from jax import lax
from jax.experimental import pallas as pl
from jax.experimental.pallas import tpu as pltpu
from jax.experimental.pallas import tpu_sc as plsc

NUM_EMB = 1_000_000
DIM = 32
BATCH = 16384
HIST = 50

_TC_BLK = 32768
_T_PAD = 31 * _TC_BLK


def _matvec_body(tbl_ref, w_ref, out_ref):
    prod = tbl_ref[...] * w_ref[...]
    out_ref[...] = jnp.sum(prod, axis=0)


def _table_matvec(emb_t, w_col):
    return pl.pallas_call(
        _matvec_body,
        grid=(_T_PAD // _TC_BLK,),
        in_specs=[
            pl.BlockSpec((DIM, _TC_BLK), lambda i: (0, i)),
            pl.BlockSpec((DIM, 1), lambda i: (0, 0)),
        ],
        out_specs=pl.BlockSpec((_TC_BLK,), lambda i: (i,)),
        out_shape=jax.ShapeDtypeStruct((_T_PAD,), jnp.float32),
    )(emb_t, w_col)


_NW = 32
_COLS_W = BATCH // _NW
_IDX_W = _COLS_W * HIST


def _sc_body(idx_hbm, t_hbm, out_hbm, idx_v, vals_v, out_v, sem):
    wid = lax.axis_index("s") * 2 + lax.axis_index("c")

    pltpu.sync_copy(idx_hbm.at[wid], idx_v)

    _cp = pltpu.make_async_copy(t_hbm.at[idx_v], vals_v, sem)
    _cp.start()
    _cp.wait()

    def _reduce_group(g, carry):
        col = g * 16
        acc = jnp.zeros((16,), jnp.float32)
        for l in range(HIST):
            acc = acc + vals_v[pl.ds(l * _COLS_W + col, 16)]
        out_v[pl.ds(col, 16)] = acc
        return carry

    lax.fori_loop(0, _COLS_W // 16, _reduce_group, 0)

    pltpu.sync_copy(out_v, out_hbm.at[pl.ds(wid * _COLS_W, _COLS_W)])


@functools.partial(
    pl.kernel,
    mesh=plsc.VectorSubcoreMesh(core_axis_name="c", subcore_axis_name="s"),
    out_type=jax.ShapeDtypeStruct((BATCH,), jnp.float32),
    scratch_types=[
        pltpu.VMEM((_IDX_W,), jnp.int32),
        pltpu.VMEM((_IDX_W,), jnp.float32),
        pltpu.VMEM((_COLS_W,), jnp.float32),
        pltpu.SemaphoreType.DMA,
    ],
    compiler_params=pltpu.CompilerParams(needs_layout_passes=False),
)
def _sc_gather_sum(idx_hbm, t_hbm, out_hbm, idx_v, vals_v, out_v, sem):
    _sc_body(idx_hbm, t_hbm, out_hbm, idx_v, vals_v, out_v, sem)


def kernel(input, input_lengths, emb_table, lin_w):
    del input_lengths
    t = _table_matvec(emb_table.T, lin_w.T)
    idx_arr = (
        input.T.astype(jnp.int32)
        .reshape(HIST, _NW, _COLS_W)
        .transpose(1, 0, 2)
        .reshape(_NW, _IDX_W)
    )
    out = _sc_gather_sum(idx_arr, t)
    return out.reshape(BATCH, 1)

# --- scband reference (transcript-rebuilt; emitter-appended) ---
"""Pipeline reference for scband-plate-net-28132035789176 (READ-ONLY COPY).

The authoritative reference and input builder live on the scoring server;
editing this copy changes nothing except your own understanding.
"""

import jax, jax.numpy as jnp
import numpy as np

NUM_EMBEDDINGS = 1000000
EMBEDDING_DIM = 32
BATCH = 16384
HIST_LEN = 50


def setup_inputs(seed: int = 0) -> dict:
    key = jax.random.key(seed)
    k1, k2, k3, k4 = jax.random.split(key, 4)
    inp = jax.random.randint(k1, (BATCH, HIST_LEN), 0, NUM_EMBEDDINGS)
    input_lengths = jax.random.randint(k2, (BATCH,), 1, HIST_LEN + 1)
    emb_table = jax.random.normal(k3, (NUM_EMBEDDINGS, EMBEDDING_DIM), dtype=jnp.float32)
    # padding_idx=0: row 0 stores zeros
    emb_table = emb_table.at[0].set(0.0)
    lin_w = jax.random.normal(k4, (1, EMBEDDING_DIM), dtype=jnp.float32) * 0.1
    return {"input": inp, "input_lengths": input_lengths, "emb_table": emb_table, "lin_w": lin_w}


def reference(input, input_lengths, emb_table, lin_w):
    # nn.Embedding with padding_idx=0: lookups of index 0 return the zero row
    e = jnp.take(emb_table, input, axis=0)  # [B, L, D]
    pad_mask = (input != 0)[..., None].astype(e.dtype)
    e = e * pad_mask
    u = e.sum(axis=1)  # [B, D]
    v = u @ lin_w.T  # Linear(D, 1, bias=False) -> [B, 1]
    return v

if __name__ == "__main__":
    import jax
    _d = setup_inputs()
    print(jax.jit(kernel)(*tuple(_d.values())))

</pallas_src>

<mosaic_0001>
#map = affine_map<(d0, d1) -> (0, 0)>
#map1 = affine_map<(d0, d1) -> (0)>
module attributes {stable_mosaic.version = 14 : i64} {
  func.func @_sc_gather_sum(%arg0: i32, %arg1: i32, %arg2: memref<32x25600xi32, #tpu.memory_space<hbm>>, %arg3: memref<1015808xf32, #tpu.memory_space<hbm>>, %arg4: memref<16384xf32, #tpu.memory_space<hbm>>, %arg5: memref<25600xi32, #tpu.memory_space<vmem>>, %arg6: memref<25600xf32, #tpu.memory_space<vmem>>, %arg7: memref<512xf32, #tpu.memory_space<vmem>>, %arg8: memref<!tpu.dma_semaphore, #tpu.memory_space<semaphore_mem>>) attributes {dimension_semantics = [#tpu.dimension_semantics<core_parallel>, #tpu.dimension_semantics<subcore_parallel>], iteration_bounds = array<i64: 2, 16>, scalar_prefetch = 0 : i64, scratch_operands = 4 : i64, tpu.core_type = #tpu.core_type<sc_vector_subcore>, window_params = [{transform_indices = #map}, {transform_indices = #map1}, {transform_indices = #map1}]} {
    %mul3A = arith.constant 2 : i32
    %mul3A_0 = arith.muli %arg1, %mul3A : i32
    %add3A = arith.addi %mul3A_0, %arg0 : i32
    "tpu.region"() ({
      %run_scoped3A = tpu.sem_alloc : memref<!tpu.dma_semaphore, #tpu.memory_space<semaphore_mem>>
      %dma_start3A_10 = arith.constant 0 : i32
      %dma_start3A_11 = tpu.memref_slice %arg2[%add3A, %dma_start3A_10] : memref<32x25600xi32, #tpu.memory_space<hbm>> -> memref<1x25600xi32, #tpu.memory_space<hbm>>
      %dma_start3A_12 = tpu.memref_squeeze %dma_start3A_11 : memref<1x25600xi32, #tpu.memory_space<hbm>> -> memref<25600xi32, #tpu.memory_space<hbm>>
      %dma_start3A_13 = arith.constant 0 : i32
      %dma_start3A_14 = tpu.memref_slice %arg2[%add3A, %dma_start3A_13] : memref<32x25600xi32, #tpu.memory_space<hbm>> -> memref<1x25600xi32, #tpu.memory_space<hbm>>
      %dma_start3A_15 = tpu.memref_squeeze %dma_start3A_14 : memref<1x25600xi32, #tpu.memory_space<hbm>> -> memref<25600xi32, #tpu.memory_space<hbm>>
      tpu.enqueue_dma source(%dma_start3A_15 : memref<25600xi32, #tpu.memory_space<hbm>>) target(%arg5 : memref<25600xi32, #tpu.memory_space<vmem>>) target_semaphore(%run_scoped3A : memref<!tpu.dma_semaphore, #tpu.memory_space<semaphore_mem>>)
      %dma_wait3A_16 = arith.constant 0 : i32
      %dma_wait3A_17 = tpu.memref_slice %arg2[%add3A, %dma_wait3A_16] : memref<32x25600xi32, #tpu.memory_space<hbm>> -> memref<1x25600xi32, #tpu.memory_space<hbm>>
      %dma_wait3A_18 = tpu.memref_squeeze %dma_wait3A_17 : memref<1x25600xi32, #tpu.memory_space<hbm>> -> memref<25600xi32, #tpu.memory_space<hbm>>
      %dma_wait3A_19 = arith.constant 0 : i32
      %dma_wait3A_20 = tpu.memref_slice %arg2[%add3A, %dma_wait3A_19] : memref<32x25600xi32, #tpu.memory_space<hbm>> -> memref<1x25600xi32, #tpu.memory_space<hbm>>
      %dma_wait3A_21 = tpu.memref_squeeze %dma_wait3A_20 : memref<1x25600xi32, #tpu.memory_space<hbm>> -> memref<25600xi32, #tpu.memory_space<hbm>>
      tpu.wait_dma2 semaphore(%run_scoped3A : memref<!tpu.dma_semaphore, #tpu.memory_space<semaphore_mem>>) src(%dma_wait3A_21 : memref<25600xi32, #tpu.memory_space<hbm>>) dst(%arg5 : memref<25600xi32, #tpu.memory_space<vmem>>)
      tpu.yield
    }) : () -> ()
    %dma_start3A = arith.constant 0 : i32
    %dma_start3A_1 = tpu.memref_slice %arg3[%dma_start3A] : memref<1015808xf32, #tpu.memory_space<hbm>> -> memref<1015808xf32, #tpu.memory_space<hbm>>
    tpu.enqueue_indirect_dma source(%dma_start3A_1 : memref<1015808xf32, #tpu.memory_space<hbm>>) target(%arg6 : memref<25600xf32, #tpu.memory_space<vmem>>) offsets(%arg5 : memref<25600xi32, #tpu.memory_space<vmem>>) semaphore(%arg8 : memref<!tpu.dma_semaphore, #tpu.memory_space<semaphore_mem>>)
    %dma_wait3A = arith.constant 0 : i32
    %dma_wait3A_2 = tpu.memref_slice %arg3[%dma_wait3A] : memref<1015808xf32, #tpu.memory_space<hbm>> -> memref<1015808xf32, #tpu.memory_space<hbm>>
    tpu.wait_indirect_dma semaphore(%arg8 : memref<!tpu.dma_semaphore, #tpu.memory_space<semaphore_mem>>) src(%dma_wait3A_2 : memref<1015808xf32, #tpu.memory_space<hbm>>) dst(%arg6 : memref<25600xf32, #tpu.memory_space<vmem>>)
    %scan3A = arith.constant 0 : i32
    %scan3A_3 = arith.constant 0 : i32
    %scan3A_4 = arith.constant 32 : i32
    %scan3A_5 = arith.addi %scan3A_3, %scan3A_4 : i32
    %scan3A_6 = arith.constant 1 : i32
    scf.for %scan3A_10 = %scan3A_3 to %scan3A_5 step %scan3A_6  : i32 {
      %mul3A_11 = arith.constant 16 : i32
      %mul3A_12 = arith.muli %scan3A_10, %mul3A_11 : i32
      %broadcast_in_dim3A = arith.constant 0.000000e+00 : f32
      %broadcast_in_dim3A_13 = vector.broadcast %broadcast_in_dim3A : f32 to vector<16xf32>
      %add3A_14 = arith.constant 0 : i32
      %add3A_15 = arith.addi %add3A_14, %mul3A_12 : i32
      %get3A = arith.index_cast %add3A_15 : i32 to index
      %get3A_16 = tpu.vector_load %arg6[%get3A] {strides = array<i32>} : memref<25600xf32, #tpu.memory_space<vmem>>, vector<16xf32>,
      %add3A_17 = arith.addf %broadcast_in_dim3A_13, %get3A_16 : vector<16xf32>
      %add3A_18 = arith.constant 512 : i32
      %add3A_19 = arith.addi %add3A_18, %mul3A_12 : i32
      %get3A_20 = arith.index_cast %add3A_19 : i32 to index
      %get3A_21 = tpu.vector_load %arg6[%get3A_20] {strides = array<i32>} : memref<25600xf32, #tpu.memory_space<vmem>>, vector<16xf32>,
      %add3A_22 = arith.addf %add3A_17, %get3A_21 : vector<16xf32>
      %add3A_23 = arith.constant 1024 : i32
      %add3A_24 = arith.addi %add3A_23, %mul3A_12 : i32
      %get3A_25 = arith.index_cast %add3A_24 : i32 to index
      %get3A_26 = tpu.vector_load %arg6[%get3A_25] {strides = array<i32>} : memref<25600xf32, #tpu.memory_space<vmem>>, vector<16xf32>,
      %add3A_27 = arith.addf %add3A_22, %get3A_26 : vector<16xf32>
      %add3A_28 = arith.constant 1536 : i32
      %add3A_29 = arith.addi %add3A_28, %mul3A_12 : i32
      %get3A_30 = arith.index_cast %add3A_29 : i32 to index
      %get3A_31 = tpu.vector_load %arg6[%get3A_30] {strides = array<i32>} : memref<25600xf32, #tpu.memory_space<vmem>>, vector<16xf32>,
      %add3A_32 = arith.addf %add3A_27, %get3A_31 : vector<16xf32>
      %add3A_33 = arith.constant 2048 : i32
      %add3A_34 = arith.addi %add3A_33, %mul3A_12 : i32
      %get3A_35 = arith.index_cast %add3A_34 : i32 to index
      %get3A_36 = tpu.vector_load %arg6[%get3A_35] {strides = array<i32>} : memref<25600xf32, #tpu.memory_space<vmem>>, vector<16xf32>,
      %add3A_37 = arith.addf %add3A_32, %get3A_36 : vector<16xf32>
      %add3A_38 = arith.constant 2560 : i32
      %add3A_39 = arith.addi %add3A_38, %mul3A_12 : i32
      %get3A_40 = arith.index_cast %add3A_39 : i32 to index
      %get3A_41 = tpu.vector_load %arg6[%get3A_40] {strides = array<i32>} : memref<25600xf32, #tpu.memory_space<vmem>>, vector<16xf32>,
      %add3A_42 = arith.addf %add3A_37, %get3A_41 : vector<16xf32>
      %add3A_43 = arith.constant 3072 : i32
      %add3A_44 = arith.addi %add3A_43, %mul3A_12 : i32
      %get3A_45 = arith.index_cast %add3A_44 : i32 to index
      %get3A_46 = tpu.vector_load %arg6[%get3A_45] {strides = array<i32>} : memref<25600xf32, #tpu.memory_space<vmem>>, vector<16xf32>,
      %add3A_47 = arith.addf %add3A_42, %get3A_46 : vector<16xf32>
      %add3A_48 = arith.constant 3584 : i32
      %add3A_49 = arith.addi %add3A_48, %mul3A_12 : i32
      %get3A_50 = arith.index_cast %add3A_49 : i32 to index
      %get3A_51 = tpu.vector_load %arg6[%get3A_50] {strides = array<i32>} : memref<25600xf32, #tpu.memory_space<vmem>>, vector<16xf32>,
      %add3A_52 = arith.addf %add3A_47, %get3A_51 : vector<16xf32>
      %add3A_53 = arith.constant 4096 : i32
      %add3A_54 = arith.addi %add3A_53, %mul3A_12 : i32
      %get3A_55 = arith.index_cast %add3A_54 : i32 to index
      %get3A_56 = tpu.vector_load %arg6[%get3A_55] {strides = array<i32>} : memref<25600xf32, #tpu.memory_space<vmem>>, vector<16xf32>,
      %add3A_57 = arith.addf %add3A_52, %get3A_56 : vector<16xf32>
      %add3A_58 = arith.constant 4608 : i32
      %add3A_59 = arith.addi %add3A_58, %mul3A_12 : i32
      %get3A_60 = arith.index_cast %add3A_59 : i32 to index
      %get3A_61 = tpu.vector_load %arg6[%get3A_60] {strides = array<i32>} : memref<25600xf32, #tpu.memory_space<vmem>>, vector<16xf32>,
      %add3A_62 = arith.addf %add3A_57, %get3A_61 : vector<16xf32>
      %add3A_63 = arith.constant 5120 : i32
      %add3A_64 = arith.addi %add3A_63, %mul3A_12 : i32
      %get3A_65 = arith.index_cast %add3A_64 : i32 to index
      %get3A_66 = tpu.vector_load %arg6[%get3A_65] {strides = array<i32>} : memref<25600xf32, #tpu.memory_space<vmem>>, vector<16xf32>,
      %add3A_67 = arith.addf %add3A_62, %get3A_66 : vector<16xf32>
      %add3A_68 = arith.constant 5632 : i32
      %add3A_69 = arith.addi %add3A_68, %mul3A_12 : i32
      %get3A_70 = arith.index_cast %add3A_69 : i32 to index
      %get3A_71 = tpu.vector_load %arg6[%get3A_70] {strides = array<i32>} : memref<25600xf32, #tpu.memory_space<vmem>>, vector<16xf32>,
      %add3A_72 = arith.addf %add3A_67, %get3A_71 : vector<16xf32>
      %add3A_73 = arith.constant 6144 : i32
      %add3A_74 = arith.addi %add3A_73, %mul3A_12 : i32
      %get3A_75 = arith.index_cast %add3A_74 : i32 to index
      %get3A_76 = tpu.vector_load %arg6[%get3A_75] {strides = array<i32>} : memref<25600xf32, #tpu.memory_space<vmem>>, vector<16xf32>,
      %add3A_77 = arith.addf %add3A_72, %get3A_76 : vector<16xf32>
      %add3A_78 = arith.constant 6656 : i32
      %add3A_79 = arith.addi %add3A_78, %mul3A_12 : i32
      %get3A_80 = arith.index_cast %add3A_79 : i32 to index
      %get3A_81 = tpu.vector_load %arg6[%get3A_80] {strides = array<i32>} : memref<25600xf32, #tpu.memory_space<vmem>>, vector<16xf32>,
      %add3A_82 = arith.addf %add3A_77, %get3A_81 : vector<16xf32>
      %add3A_83 = arith.constant 7168 : i32
      %add3A_84 = arith.addi %add3A_83, %mul3A_12 : i32
      %get3A_85 = arith.index_cast %add3A_84 : i32 to index
      %get3A_86 = tpu.vector_load %arg6[%get3A_85] {strides = array<i32>} : memref<25600xf32, #tpu.memory_space<vmem>>, vector<16xf32>,
      %add3A_87 = arith.addf %add3A_82, %get3A_86 : vector<16xf32>
      %add3A_88 = arith.constant 7680 : i32
      %add3A_89 = arith.addi %add3A_88, %mul3A_12 : i32
      %get3A_90 = arith.index_cast %add3A_89 : i32 to index
      %get3A_91 = tpu.vector_load %arg6[%get3A_90] {strides = array<i32>} : memref<25600xf32, #tpu.memory_space<vmem>>, vector<16xf32>,
      %add3A_92 = arith.addf %add3A_87, %get3A_91 : vector<16xf32>
      %add3A_93 = arith.constant 8192 : i32
      %add3A_94 = arith.addi %add3A_93, %mul3A_12 : i32
      %get3A_95 = arith.index_cast %add3A_94 : i32 to index
      %get3A_96 = tpu.vector_load %arg6[%get3A_95] {strides = array<i32>} : memref<25600xf32, #tpu.memory_space<vmem>>, vector<16xf32>,
      %add3A_97 = arith.addf %add3A_92, %get3A_96 : vector<16xf32>
      %add3A_98 = arith.constant 8704 : i32
      %add3A_99 = arith.addi %add3A_98, %mul3A_12 : i32
      %get3A_100 = arith.index_cast %add3A_99 : i32 to index
      %get3A_101 = tpu.vector_load %arg6[%get3A_100] {strides = array<i32>} : memref<25600xf32, #tpu.memory_space<vmem>>, vector<16xf32>,
      %add3A_102 = arith.addf %add3A_97, %get3A_101 : vector<16xf32>
      %add3A_103 = arith.constant 9216 : i32
      %add3A_104 = arith.addi %add3A_103, %mul3A_12 : i32
      %get3A_105 = arith.index_cast %add3A_104 : i32 to index
      %get3A_106 = tpu.vector_load %arg6[%get3A_105] {strides = array<i32>} : memref<25600xf32, #tpu.memory_space<vmem>>, vector<16xf32>,
      %add3A_107 = arith.addf %add3A_102, %get3A_106 : vector<16xf32>
      %add3A_108 = arith.constant 9728 : i32
      %add3A_109 = arith.addi %add3A_108, %mul3A_12 : i32
      %get3A_110 = arith.index_cast %add3A_109 : i32 to index
      %get3A_111 = tpu.vector_load %arg6[%get3A_110] {strides = array<i32>} : memref<25600xf32, #tpu.memory_space<vmem>>, vector<16xf32>,
      %add3A_112 = arith.addf %add3A_107, %get3A_111 : vector<16xf32>
      %add3A_113 = arith.constant 10240 : i32
      %add3A_114 = arith.addi %add3A_113, %mul3A_12 : i32
      %get3A_115 = arith.index_cast %add3A_114 : i32 to index
      %get3A_116 = tpu.vector_load %arg6[%get3A_115] {strides = array<i32>} : memref<25600xf32, #tpu.memory_space<vmem>>, vector<16xf32>,
      %add3A_117 = arith.addf %add3A_112, %get3A_116 : vector<16xf32>
      %add3A_118 = arith.constant 10752 : i32
      %add3A_119 = arith.addi %add3A_118, %mul3A_12 : i32
      %get3A_120 = arith.index_cast %add3A_119 : i32 to index
      %get3A_121 = tpu.vector_load %arg6[%get3A_120] {strides = array<i32>} : memref<25600xf32, #tpu.memory_space<vmem>>, vector<16xf32>,
      %add3A_122 = arith.addf %add3A_117, %get3A_121 : vector<16xf32>
      %add3A_123 = arith.constant 11264 : i32
      %add3A_124 = arith.addi %add3A_123, %mul3A_12 : i32
      %get3A_125 = arith.index_cast %add3A_124 : i32 to index
      %get3A_126 = tpu.vector_load %arg6[%get3A_125] {strides = array<i32>} : memref<25600xf32, #tpu.memory_space<vmem>>, vector<16xf32>,
      %add3A_127 = arith.addf %add3A_122, %get3A_126 : vector<16xf32>
      %add3A_128 = arith.constant 11776 : i32
      %add3A_129 = arith.addi %add3A_128, %mul3A_12 : i32
      %get3A_130 = arith.index_cast %add3A_129 : i32 to index
      %get3A_131 = tpu.vector_load %arg6[%get3A_130] {strides = array<i32>} : memref<25600xf32, #tpu.memory_space<vmem>>, vector<16xf32>,
      %add3A_132 = arith.addf %add3A_127, %get3A_131 : vector<16xf32>
      %add3A_133 = arith.constant 12288 : i32
      %add3A_134 = arith.addi %add3A_133, %mul3A_12 : i32
      %get3A_135 = arith.index_cast %add3A_134 : i32 to index
      %get3A_136 = tpu.vector_load %arg6[%get3A_135] {strides = array<i32>} : memref<25600xf32, #tpu.memory_space<vmem>>, vector<16xf32>,
      %add3A_137 = arith.addf %add3A_132, %get3A_136 : vector<16xf32>
      %add3A_138 = arith.constant 12800 : i32
      %add3A_139 = arith.addi %add3A_138, %mul3A_12 : i32
      %get3A_140 = arith.index_cast %add3A_139 : i32 to index
      %get3A_141 = tpu.vector_load %arg6[%get3A_140] {strides = array<i32>} : memref<25600xf32, #tpu.memory_space<vmem>>, vector<16xf32>,
      %add3A_142 = arith.addf %add3A_137, %get3A_141 : vector<16xf32>
      %add3A_143 = arith.constant 13312 : i32
      %add3A_144 = arith.addi %add3A_143, %mul3A_12 : i32
      %get3A_145 = arith.index_cast %add3A_144 : i32 to index
      %get3A_146 = tpu.vector_load %arg6[%get3A_145] {strides = array<i32>} : memref<25600xf32, #tpu.memory_space<vmem>>, vector<16xf32>,
      %add3A_147 = arith.addf %add3A_142, %get3A_146 : vector<16xf32>
      %add3A_148 = arith.constant 13824 : i32
      %add3A_149 = arith.addi %add3A_148, %mul3A_12 : i32
      %get3A_150 = arith.index_cast %add3A_149 : i32 to index
      %get3A_151 = tpu.vector_load %arg6[%get3A_150] {strides = array<i32>} : memref<25600xf32, #tpu.memory_space<vmem>>, vector<16xf32>,
      %add3A_152 = arith.addf %add3A_147, %get3A_151 : vector<16xf32>
      %add3A_153 = arith.constant 14336 : i32
      %add3A_154 = arith.addi %add3A_153, %mul3A_12 : i32
      %get3A_155 = arith.index_cast %add3A_154 : i32 to index
      %get3A_156 = tpu.vector_load %arg6[%get3A_155] {strides = array<i32>} : memref<25600xf32, #tpu.memory_space<vmem>>, vector<16xf32>,
      %add3A_157 = arith.addf %add3A_152, %get3A_156 : vector<16xf32>
      %add3A_158 = arith.constant 14848 : i32
      %add3A_159 = arith.addi %add3A_158, %mul3A_12 : i32
      %get3A_160 = arith.index_cast %add3A_159 : i32 to index
      %get3A_161 = tpu.vector_load %arg6[%get3A_160] {strides = array<i32>} : memref<25600xf32, #tpu.memory_space<vmem>>, vector<16xf32>,
      %add3A_162 = arith.addf %add3A_157, %get3A_161 : vector<16xf32>
      %add3A_163 = arith.constant 15360 : i32
      %add3A_164 = arith.addi %add3A_163, %mul3A_12 : i32
      %get3A_165 = arith.index_cast %add3A_164 : i32 to index
      %get3A_166 = tpu.vector_load %arg6[%get3A_165] {strides = array<i32>} : memref<25600xf32, #tpu.memory_space<vmem>>, vector<16xf32>,
      %add3A_167 = arith.addf %add3A_162, %get3A_166 : vector<16xf32>
      %add3A_168 = arith.constant 15872 : i32
      %add3A_169 = arith.addi %add3A_168, %mul3A_12 : i32
      %get3A_170 = arith.index_cast %add3A_169 : i32 to index
      %get3A_171 = tpu.vector_load %arg6[%get3A_170] {strides = array<i32>} : memref<25600xf32, #tpu.memory_space<vmem>>, vector<16xf32>,
      %add3A_172 = arith.addf %add3A_167, %get3A_171 : vector<16xf32>
      %add3A_173 = arith.constant 16384 : i32
      %add3A_174 = arith.addi %add3A_173, %mul3A_12 : i32
      %get3A_175 = arith.index_cast %add3A_174 : i32 to index
      %get3A_176 = tpu.vector_load %arg6[%get3A_175] {strides = array<i32>} : memref<25600xf32, #tpu.memory_space<vmem>>, vector<16xf32>,
      %add3A_177 = arith.addf %add3A_172, %get3A_176 : vector<16xf32>
      %add3A_178 = arith.constant 16896 : i32
      %add3A_179 = arith.addi %add3A_178, %mul3A_12 : i32
      %get3A_180 = arith.index_cast %add3A_179 : i32 to index
      %get3A_181 = tpu.vector_load %arg6[%get3A_180] {strides = array<i32>} : memref<25600xf32, #tpu.memory_space<vmem>>, vector<16xf32>,
      %add3A_182 = arith.addf %add3A_177, %get3A_181 : vector<16xf32>
      %add3A_183 = arith.constant 17408 : i32
      %add3A_184 = arith.addi %add3A_183, %mul3A_12 : i32
      %get3A_185 = arith.index_cast %add3A_184 : i32 to index
      %get3A_186 = tpu.vector_load %arg6[%get3A_185] {strides = array<i32>} : memref<25600xf32, #tpu.memory_space<vmem>>, vector<16xf32>,
      %add3A_187 = arith.addf %add3A_182, %get3A_186 : vector<16xf32>
      %add3A_188 = arith.constant 17920 : i32
      %add3A_189 = arith.addi %add3A_188, %mul3A_12 : i32
      %get3A_190 = arith.index_cast %add3A_189 : i32 to index
      %get3A_191 = tpu.vector_load %arg6[%get3A_190] {strides = array<i32>} : memref<25600xf32, #tpu.memory_space<vmem>>, vector<16xf32>,
      %add3A_192 = arith.addf %add3A_187, %get3A_191 : vector<16xf32>
      %add3A_193 = arith.constant 18432 : i32
      %add3A_194 = arith.addi %add3A_193, %mul3A_12 : i32
      %get3A_195 = arith.index_cast %add3A_194 : i32 to index
      %get3A_196 = tpu.vector_load %arg6[%get3A_195] {strides = array<i32>} : memref<25600xf32, #tpu.memory_space<vmem>>, vector<16xf32>,
      %add3A_197 = arith.addf %add3A_192, %get3A_196 : vector<16xf32>
      %add3A_198 = arith.constant 18944 : i32
      %add3A_199 = arith.addi %add3A_198, %mul3A_12 : i32
      %get3A_200 = arith.index_cast %add3A_199 : i32 to index
      %get3A_201 = tpu.vector_load %arg6[%get3A_200] {strides = array<i32>} : memref<25600xf32, #tpu.memory_space<vmem>>, vector<16xf32>,
      %add3A_202 = arith.addf %add3A_197, %get3A_201 : vector<16xf32>
      %add3A_203 = arith.constant 19456 : i32
      %add3A_204 = arith.addi %add3A_203, %mul3A_12 : i32
      %get3A_205 = arith.index_cast %add3A_204 : i32 to index
      %get3A_206 = tpu.vector_load %arg6[%get3A_205] {strides = array<i32>} : memref<25600xf32, #tpu.memory_space<vmem>>, vector<16xf32>,
      %add3A_207 = arith.addf %add3A_202, %get3A_206 : vector<16xf32>
      %add3A_208 = arith.constant 19968 : i32
      %add3A_209 = arith.addi %add3A_208, %mul3A_12 : i32
      %get3A_210 = arith.index_cast %add3A_209 : i32 to index
      %get3A_211 = tpu.vector_load %arg6[%get3A_210] {strides = array<i32>} : memref<25600xf32, #tpu.memory_space<vmem>>, vector<16xf32>,
      %add3A_212 = arith.addf %add3A_207, %get3A_211 : vector<16xf32>
      %add3A_213 = arith.constant 20480 : i32
      %add3A_214 = arith.addi %add3A_213, %mul3A_12 : i32
      %get3A_215 = arith.index_cast %add3A_214 : i32 to index
      %get3A_216 = tpu.vector_load %arg6[%get3A_215] {strides = array<i32>} : memref<25600xf32, #tpu.memory_space<vmem>>, vector<16xf32>,
      %add3A_217 = arith.addf %add3A_212, %get3A_216 : vector<16xf32>
      %add3A_218 = arith.constant 20992 : i32
      %add3A_219 = arith.addi %add3A_218, %mul3A_12 : i32
      %get3A_220 = arith.index_cast %add3A_219 : i32 to index
      %get3A_221 = tpu.vector_load %arg6[%get3A_220] {strides = array<i32>} : memref<25600xf32, #tpu.memory_space<vmem>>, vector<16xf32>,
      %add3A_222 = arith.addf %add3A_217, %get3A_221 : vector<16xf32>
      %add3A_223 = arith.constant 21504 : i32
      %add3A_224 = arith.addi %add3A_223, %mul3A_12 : i32
      %get3A_225 = arith.index_cast %add3A_224 : i32 to index
      %get3A_226 = tpu.vector_load %arg6[%get3A_225] {strides = array<i32>} : memref<25600xf32, #tpu.memory_space<vmem>>, vector<16xf32>,
      %add3A_227 = arith.addf %add3A_222, %get3A_226 : vector<16xf32>
      %add3A_228 = arith.constant 22016 : i32
      %add3A_229 = arith.addi %add3A_228, %mul3A_12 : i32
      %get3A_230 = arith.index_cast %add3A_229 : i32 to index
      %get3A_231 = tpu.vector_load %arg6[%get3A_230] {strides = array<i32>} : memref<25600xf32, #tpu.memory_space<vmem>>, vector<16xf32>,
      %add3A_232 = arith.addf %add3A_227, %get3A_231 : vector<16xf32>
      %add3A_233 = arith.constant 22528 : i32
      %add3A_234 = arith.addi %add3A_233, %mul3A_12 : i32
      %get3A_235 = arith.index_cast %add3A_234 : i32 to index
      %get3A_236 = tpu.vector_load %arg6[%get3A_235] {strides = array<i32>} : memref<25600xf32, #tpu.memory_space<vmem>>, vector<16xf32>,
      %add3A_237 = arith.addf %add3A_232, %get3A_236 : vector<16xf32>
      %add3A_238 = arith.constant 23040 : i32
      %add3A_239 = arith.addi %add3A_238, %mul3A_12 : i32
      %get3A_240 = arith.index_cast %add3A_239 : i32 to index
      %get3A_241 = tpu.vector_load %arg6[%get3A_240] {strides = array<i32>} : memref<25600xf32, #tpu.memory_space<vmem>>, vector<16xf32>,
      %add3A_242 = arith.addf %add3A_237, %get3A_241 : vector<16xf32>
      %add3A_243 = arith.constant 23552 : i32
      %add3A_244 = arith.addi %add3A_243, %mul3A_12 : i32
      %get3A_245 = arith.index_cast %add3A_244 : i32 to index
      %get3A_246 = tpu.vector_load %arg6[%get3A_245] {strides = array<i32>} : memref<25600xf32, #tpu.memory_space<vmem>>, vector<16xf32>,
      %add3A_247 = arith.addf %add3A_242, %get3A_246 : vector<16xf32>
      %add3A_248 = arith.constant 24064 : i32
      %add3A_249 = arith.addi %add3A_248, %mul3A_12 : i32
      %get3A_250 = arith.index_cast %add3A_249 : i32 to index
      %get3A_251 = tpu.vector_load %arg6[%get3A_250] {strides = array<i32>} : memref<25600xf32, #tpu.memory_space<vmem>>, vector<16xf32>,
      %add3A_252 = arith.addf %add3A_247, %get3A_251 : vector<16xf32>
      %add3A_253 = arith.constant 24576 : i32
      %add3A_254 = arith.addi %add3A_253, %mul3A_12 : i32
      %get3A_255 = arith.index_cast %add3A_254 : i32 to index
      %get3A_256 = tpu.vector_load %arg6[%get3A_255] {strides = array<i32>} : memref<25600xf32, #tpu.memory_space<vmem>>, vector<16xf32>,
      %add3A_257 = arith.addf %add3A_252, %get3A_256 : vector<16xf32>
      %add3A_258 = arith.constant 25088 : i32
      %add3A_259 = arith.addi %add3A_258, %mul3A_12 : i32
      %get3A_260 = arith.index_cast %add3A_259 : i32 to index
      %get3A_261 = tpu.vector_load %arg6[%get3A_260] {strides = array<i32>} : memref<25600xf32, #tpu.memory_space<vmem>>, vector<16xf32>,
      %add3A_262 = arith.addf %add3A_257, %get3A_261 : vector<16xf32>
      %swap3A = arith.index_cast %mul3A_12 : i32 to index
      %swap3A_263 = tpu.vector_load %arg7[%swap3A] {strides = array<i32>} : memref<512xf32, #tpu.memory_space<vmem>>, vector<16xf32>,
      tpu.vector_store %arg7[%swap3A], %add3A_262 {strides = array<i32>} : memref<512xf32, #tpu.memory_space<vmem>>, vector<16xf32>,
    }
    %scan3A_7 = arith.constant 32 : i32
    %mul3A_8 = arith.constant 512 : i32
    %mul3A_9 = arith.muli %add3A, %mul3A_8 : i32
    "tpu.region"() ({
      %run_scoped3A = tpu.sem_alloc : memref<!tpu.dma_semaphore, #tpu.memory_space<semaphore_mem>>
      %dma_start3A_10 = tpu.memref_slice %arg4[%mul3A_9] : memref<16384xf32, #tpu.memory_space<hbm>> -> memref<512xf32, #tpu.memory_space<hbm>>
      %dma_start3A_11 = tpu.memref_slice %arg4[%mul3A_9] : memref<16384xf32, #tpu.memory_space<hbm>> -> memref<512xf32, #tpu.memory_space<hbm>>
      tpu.enqueue_dma source(%arg7 : memref<512xf32, #tpu.memory_space<vmem>>) target(%dma_start3A_11 : memref<512xf32, #tpu.memory_space<hbm>>) target_semaphore(%run_scoped3A : memref<!tpu.dma_semaphore, #tpu.memory_space<semaphore_mem>>)
      %dma_wait3A_12 = tpu.memref_slice %arg4[%mul3A_9] : memref<16384xf32, #tpu.memory_space<hbm>> -> memref<512xf32, #tpu.memory_space<hbm>>
      %dma_wait3A_13 = tpu.memref_slice %arg4[%mul3A_9] : memref<16384xf32, #tpu.memory_space<hbm>> -> memref<512xf32, #tpu.memory_space<hbm>>
      tpu.wait_dma2 semaphore(%run_scoped3A : memref<!tpu.dma_semaphore, #tpu.memory_space<semaphore_mem>>) src(%arg7 : memref<512xf32, #tpu.memory_space<vmem>>) dst(%dma_wait3A_13 : memref<512xf32, #tpu.memory_space<hbm>>)
      tpu.yield
    }) : () -> ()
    return
  }
}

module attributes {stable_mosaic.version = 14 : i64} {
  func.func @_matvec_body(%arg0: i32, %arg1: memref<32x32768xf32, #tpu.memory_space<vmem>>, %arg2: memref<32x1xf32, #tpu.memory_space<vmem>>, %arg3: memref<32768xf32, #tpu.memory_space<vmem>>) attributes {dimension_semantics = [#tpu.dimension_semantics<arbitrary>], iteration_bounds = array<i64: 31>, scalar_prefetch = 0 : i64, scratch_operands = 0 : i64, tpu.core_type = #tpu.core_type<tc>, window_params = [{transform_indices = @transform_0, window_bounds = array<i64: 32, 32768>}, {pipeline_mode = #tpu.pipeline_mode<synchronous>, transform_indices = @transform_1, window_bounds = array<i64: 32, 1>}, {transform_indices = @transform_2, window_bounds = array<i64: 32768>}]} {
    %get3A = arith.constant 0 : index
    %get3A_0 = arith.constant 0 : index
    %get3A_1 = vector.load %arg1[%get3A, %get3A_0] : memref<32x32768xf32, #tpu.memory_space<vmem>>, vector<32x32768xf32>
    %get3A_2 = arith.constant 0 : index
    %get3A_3 = arith.constant 0 : index
    %get3A_4 = vector.load %arg2[%get3A_2, %get3A_3] : memref<32x1xf32, #tpu.memory_space<vmem>>, vector<32x1xf32>
    %mul3A = vector.broadcast %get3A_4 : vector<32x1xf32> to vector<32x32768xf32>
    %mul3A_5 = arith.mulf %get3A_1, %mul3A : vector<32x32768xf32>
    %reduce_sum3A = arith.constant dense<0.000000e+00> : vector<32768xf32>
    %reduce_sum3A_6 = vector.multi_reduction <add>, %mul3A_5, %reduce_sum3A [0] : vector<32x32768xf32> to vector<32768xf32>
    %swap3A = arith.constant 0 : index
    %swap3A_7 = vector.load %arg3[%swap3A] : memref<32768xf32, #tpu.memory_space<vmem>>, vector<32768xf32>
    tpu.vector_store %arg3[%swap3A], %reduce_sum3A_6 {strides = array<i32>} : memref<32768xf32, #tpu.memory_space<vmem>>, vector<32768xf32>,
    return
  }
  func.func @transform_0(%arg0: i32) -> (i32, i32) {
    %c0_i32 = arith.constant 0 : i32
    %c0_i32_0 = arith.constant 0 : i32
    return %c0_i32, %arg0 : i32, i32
  }
  func.func @transform_1(%arg0: i32) -> (i32, i32) {
    %c0_i32 = arith.constant 0 : i32
    %c0_i32_0 = arith.constant 0 : i32
    %c0_i32_1 = arith.constant 0 : i32
    return %c0_i32, %c0_i32_0 : i32, i32
  }
  func.func @transform_2(%arg0: i32) -> i32 {
    %c0_i32 = arith.constant 0 : i32
    return %arg0 : i32
  }
}

</mosaic_0001>

<sc_bundles>
// kernel: kernel.4.cloned.1.call-start
scs
__scs_entry_jumppad:
0x0: {  	(pc) =	sbr.rel $0x88, $3  }
0x1: {  	(tag) =	ssettag $0x0;
	lr =	simm.s32 $0x1  }
0x2: {  	[smem:$0x3F9E] =	sst lr;
	_ =	strace $0xD0000000  }
0x3: {  	_ = 	snop  }
0x4: {  	_ = 	snop  }
0x5: {  	_ = 	snop  }
0x6: {  	_ = 	snop  }
0x7: {  	_ = 	snop  }
__scs_overlays_trampoline_lowered:
0x8: {  	[smem:$0x3FAD] =	sst s0  }
0x9: {  	[smem:$0x3FAE] =	sst s1  }
0xa: {  	[smem:$0x3FAF] =	sst s2  }
0xb: {  	[smem:$0x3FB0] =	sst s3  }
0xc: {  	[smem:$0x3FB1] =	sst s4  }
0xd: {  	[smem:$0x3FB2] =	sst s5  }
0xe: {  	[smem:$0x3FB3] =	sst s6  }
0xf: {  	[smem:$0x3FB4] =	sst s7  }
0x10: {  	[smem:$0x3FB5] =	sst s8  }
0x11: {  	[smem:$0x3FB6] =	sst s9;
	s0 =	simm.s32 @!p0 $0x0  }
0x12: {  	s1 =	sld [smem:$0x3F9C];
	s0 =	simm.s32 @p0 $0x1  }
0x13: {  	[smem:$0x3FB7] =	sst s0;
	s0 =	simm.s32 @!p1 $0x0  }
0x14: {  	s2 =	sld [smem:$0x3F9B];
	s0 =	simm.s32 @p1 $0x1  }
0x15: {  	[smem:$0x3FB8] =	sst s0;
	s0 =	simm.s32 @!p2 $0x0  }
0x16: {  	s3 =	sld [smem:$0x3FDB];
	s0 =	simm.s32 @p2 $0x1  }
0x17: {  	s4 =	simm.s32 $0x1BF5;
	[smem:$0x3FBA] =	sst s0  }
0x18: {  	s0 =	sld [smem:$0x3F9D];
	_ =	swait.ge [sflag:s4], $0x0  }
0x19: {  	s7 =	sld [smem:$0x3F9E]  }
0x1a: {  	s8 =	sadd.s32 $0xFFFFE003, lr  }
0x1b: {  	s9 =	sadd.s32 $0xFFFFFEF7, lr;
	s5 =	simm.s32 $0xFFFFFFFF;
	p2 =	slt.u32 s8, $0xFFFFF086  }
0x1c: {  	p1 =	slt.u32 s9, $0xF7A;
	s5 =	simm.s32 @!p2 $0x0  }
0x1d: {  	s5 =	simm.s32 @p1 $0x1;
	p0 =	seq.s32 s7, s2  }
0x1e: {  	s7 =	smul.u32 @!p0 $0xF7A, s2;
	p2 =	seq.s32 @!p0 s5, $0x0  }
0x1f: {  	s9 =	smul.u32 $0xF7A, s1;
	s8 =	simm.s32 @!p0 $0x1BF5;
	p2 =	por !p2, p0  }
0x20: {  	[sflag:s8] =	ssyncset.s32 @!p0 $0xFFFFF086;
	s6 =	sadd.s32 @!p0 s3, s7;
	s7 =	simm.s32 @!p0 $0x108  }
0x21: {  	s3 =	sadd.s32 s3, s9;
	s6 =	sadd.s32 @!p0 $0x88, s6;
	s7 =	simm.s32 @p2 $0x1082  }
0x22: {  	[simem:s7], [sflag:s8] =	dma.local @!p0 [hbm:s6], $0xF7A  }
0x23: {  	s9 =	sor.u32 $0xD0000000, s2;
	s6 =	simm.s32 $0x108;
	_ =	swait.ge @!p0 [sflag:s8], $0x0  }
0x24: {  	s3 =	sadd.s32 $0x88, s3;
	s6 =	simm.s32 @!p1 $0x1082;
	[sflag:s4] =	ssyncset.s32 $0xFFFFF086  }
0x25: {  	[simem:s6], [sflag:s4] =	dma.local [hbm:s3], $0xF7A  }
0x26: {  	[smem:$0x3F9E] =	sst s1;
	(tag) =	ssettag s2;
	_ =	strace s9  }
0x27: {  	s1 =	sld [smem:$0x3FAE]  }
0x28: {  	s2 =	sld [smem:$0x3FAF]  }
0x29: {  	s4 =	sld [smem:$0x3FB1]  }
0x2a: {  	p0 =	seq.s32 s5, $0x0;
	s5 =	sld [smem:$0x3FB2]  }
0x2b: {  	s6 =	sld [smem:$0x3FB3]  }
0x2c: {  	s7 =	sld [smem:$0x3FB4]  }
0x2d: {  	s3 =	simm.s32 $0x108;
	s8 =	sld [smem:$0x3FB5]  }
0x2e: {  	s3 =	simm.s32 @!p0 $0x1082;
	s9 =	sld [smem:$0x3FB6]  }
0x2f: {  	lr =	sadd.s32 s0, s3;
	s0 =	sld [smem:$0x3FAD]  }
0x30: {  	s3 =	sld [smem:$0x3FB0]  }
0x31: {  	[smem:$0x3FB9] =	sst s10  }
0x32: {  	s10 =	sld [smem:$0x3FB7];
	_ =	sdelay $0x3  }
0x33: {  	p0 =	seq.s32 s10, $0x1;
	s10 =	sld [smem:$0x3FB9];
	_ =	sdelay $0x3  }
0x34: {  	[smem:$0x3FB9] =	sst s10  }
0x35: {  	s10 =	sld [smem:$0x3FB8];
	_ =	sdelay $0x3  }
0x36: {  	p1 =	seq.s32 s10, $0x1;
	s10 =	sld [smem:$0x3FB9];
	_ =	sdelay $0x3  }
0x37: {  	[smem:$0x3FB9] =	sst s10  }
0x38: {  	s10 =	sld [smem:$0x3FBA]  }
0x39: {  	_ = 	snop;
	(pc) =	sbr.ind lr, $3  }
0x3a: {  	_ = 	snop  }
0x3b: {  	_ = 	snop  }
0x3c: {  	p2 =	seq.s32 s10, $0x1;
	s10 =	sld [smem:$0x3FB9]  }
0x3d: {  	_ =	shalt  }
0x3e: {  	_ =	shalt  }
0x3f: {  	_ =	shalt  }
0x40: {  	_ =	shalt  }
0x41: {  	_ =	shalt  }
0x42: {  	_ =	shalt  }
0x43: {  	_ =	shalt  }
0x44: {  	_ =	shalt  }
0x45: {  	_ =	shalt  }
0x46: {  	_ =	shalt  }
0x47: {  	_ =	shalt  }
0x48: {  	_ =	shalt  }
0x49: {  	_ =	shalt  }
0x4a: {  	_ =	shalt  }
0x4b: {  	_ =	shalt  }
0x4c: {  	_ =	shalt  }
0x4d: {  	_ =	shalt  }
0x4e: {  	_ =	shalt  }
0x4f: {  	_ =	shalt  }
0x50: {  	_ =	shalt  }
0x51: {  	_ =	shalt  }
0x52: {  	_ =	shalt  }
0x53: {  	_ =	shalt  }
0x54: {  	_ =	shalt  }
0x55: {  	_ =	shalt  }
0x56: {  	_ =	shalt  }
0x57: {  	_ =	shalt  }
0x58: {  	_ =	shalt  }
0x59: {  	_ =	shalt  }
0x5a: {  	_ =	shalt  }
0x5b: {  	_ =	shalt  }
0x5c: {  	_ =	shalt  }
0x5d: {  	_ =	shalt  }
0x5e: {  	_ =	shalt  }
0x5f: {  	_ =	shalt  }
0x60: {  	_ =	shalt  }
0x61: {  	_ =	shalt  }
0x62: {  	_ =	shalt  }
0x63: {  	_ =	shalt  }
0x64: {  	_ =	shalt  }
0x65: {  	_ =	shalt  }
0x66: {  	_ =	shalt  }
0x67: {  	_ =	shalt  }
0x68: {  	_ =	shalt  }
0x69: {  	_ =	shalt  }
0x6a: {  	_ =	shalt  }
0x6b: {  	_ =	shalt  }
0x6c: {  	_ =	shalt  }
0x6d: {  	_ =	shalt  }
0x6e: {  	_ =	shalt  }
0x6f: {  	_ =	shalt  }
0x70: {  	_ =	shalt  }
0x71: {  	_ =	shalt  }
0x72: {  	_ =	shalt  }
0x73: {  	_ =	shalt  }
0x74: {  	_ =	shalt  }
0x75: {  	_ =	shalt  }
0x76: {  	_ =	shalt  }
0x77: {  	_ =	shalt  }
0x78: {  	_ =	shalt  }
0x79: {  	_ =	shalt  }
0x7a: {  	_ =	shalt  }
0x7b: {  	_ =	shalt  }
0x7c: {  	_ =	shalt  }
0x7d: {  	_ =	shalt  }
0x7e: {  	_ =	shalt  }
0x7f: {  	_ =	shalt  }
0x80: {  	_ =	shalt  }
0x81: {  	_ =	shalt  }
0x82: {  	_ =	shalt  }
0x83: {  	_ =	shalt  }
0x84: {  	_ =	shalt  }
0x85: {  	_ =	shalt  }
0x86: {  	_ =	shalt  }
0x87: {  	_ =	shalt  }
.Lfunc_end0:
.L_simem_size_0:
called_computation_lowered:
.L_overlay_start_0:
0x88: {  	s2 =	sld [smem:$0x3FD9]  }
0x89: {  	s3 =	sld [smem:$0x3FFE];
	_ =	sdelay $0x1  }
0x8a: {  	s1 =	srdreg.scid  }
0x8b: {  	s0 =	sand.u32 $0x1, s1  }
0x8c: {  	s17 =	sshll.u32 s0, $0xA;
	s2 =	sadd.s32 s3, s2  }
0x8d: {  	s2 =	sadd.s32 s2, s17  }
0x8e: {  	[smem:$0x3FC5] =	sst s2  }
0x8f: {  	_ = 	snop  }
0x90: {  	s2 =	sld [smem:$0x3FD0];
	(tm) =	ssettm $0x1  }
0x91: {  	s18 =	sld [smem:$0x3FFB];
	_ =	sdelay $0x3  }
0x92: {  	_ =	strace s18  }
0x93: {  	s3 =	sld [smem:$0x3FFC];
	_ =	sdelay $0x3  }
0x94: {  	_ =	strace s3  }
0x95: {  	s3 =	sld [smem:$0x3FFD];
	_ =	sdelay $0x3  }
0x96: {  	_ =	strace s3  }
0x97: {  	_ =	strace $0x8FFFFFFF  }
0x98: {  	s19 =	sld [smem:$0x3FDB];
	_ =	sdelay $0x1  }
0x99: {  	s4 =	simm.s32 $_scs_section_size  }
0x9a: {  	s5 =	simm.s32 $_size__tile_overlayer_lowered;
	s6 =	simm.s32 $_tile_overlayer_lowered  }
0x9b: {  	s22 =	simm.s32 $0x1BFF;
	s21 =	sshll.u32 s6, $0x1;
	s3 =	sadd.s32 s4, s19  }
0x9c: {  	s7 =	simm.s32 $0x0;
	s20 =	sshll.u32 s5, $0x1;
	s5 =	sadd.s32 s21, s3  }
0x9d: {  	[timem:s7], [sflag:s22] =	dma.local [hbm:s5], s20  }
0x9e: {  	_ =	swait.ge [sflag:s22], s20  }
0x9f: {  	s4 =	ssub.s32 $0x0, s20;
	[sflag:s22] =	ssyncset.done $0x0  }
0xa0: {  	[sflag:s22] =	ssyncadd.s32 s4;
	_ =	sdelay $0x1  }
0xa1: {  	s23 =	simm.s32 $0x1B8B  }
0xa2: {  	_ =	swait.ge [sflag:s23], $0x1  }
0xa3: {  	[sflag:s23] =	ssyncset.done $0x0  }
0xa4: {  	s25 =	simm.s32 $0x1B8E;
	s24 =	sld [smem:$0x3FFE];
	[sflag:s23] =	ssyncadd.s32 $0xFFFFFFFF  }
0xa5: {  	s26 =	simm.s32 $execute0_lowered;
	[smem:$0x3FD2] =	sst s25  }
0xa6: {  	s5 =	sshll.u32 s26, $0x1;
	_ =	strace $0x80000046;
	[dreg:$0x1] =	wrdreg $0xFFFFFFFF  }
0xa7: {  	s28 =	simm.s32 $_size_execute0_lowered;
	s3 =	sadd.s32 s3, s5;
	[dreg:$0x0] =	wrdreg $0x0  }
0xa8: {  	s5 =	sshll.u32 s28, $0x1;
	[dreg:$0x2] =	wrdreg s3  }
0xa9: {  	[dreg:$0x3] =	wrdreg s5  }
0xaa: {  	[dreg:$0x4] =	wrdreg $0xC0  }
0xab: {  	_ =	task [dreg:s7], $0x5FFFF  }
0xac: {  	[dreg:$0x1] =	wrdreg $0xFFFFFFFF  }
0xad: {  	[dreg:$0x0] =	wrdreg $0x60  }
0xae: {  	[dreg:$0x2] =	wrdreg s24  }
0xaf: {  	[dreg:$0x3] =	wrdreg s2  }
0xb0: {  	[dreg:$0x4] =	wrdreg $0x9  }
0xb1: {  	_ =	task.clear_ibuf [dreg:s7], $0x5FFFF;
	_ =	strace $0x90000046  }
0xb2: {  	s29 =	simm.s32 $0x9;
	_ =	strace $0x80000048  }
0xb3: {  	_ =	swait.ge [sflag:s29], $0x1  }
0xb4: {  	[sflag:s29] =	ssyncadd.s32 $0xFFFFFFFF  }
0xb5: {  	_ =	strace $0x90000048  }
0xb6: {  	_ =	sfence  }
0xb7: {  	s30 =	sld [smem:$0x0];
	_ =	sdelay $0x2  }
0xb8: {  	s31 =	sshll.u32 s1, $0xD;
	s1 =	sshrl.u32 s1, $0x2  }
0xb9: {  	s3 =	sand.u32 $0x4000, s31;
	s1 =	sadd.s32 s1, s30  }
0xba: {  	s0 =	sor.u32 s3, s0;
	s1 =	sshll.u32 s1, $0x11  }
0xbb: {  	s0 =	sor.u32 s1, s0  }
0xbc: {  	s0 =	sadd.s32 $0x8F2B, s0  }
0xbd: {  	[sflag:s0] =	ssyncadd.remote.s32 $0x1  }
0xbe: {  	_ =	sfence.sel $0xFFFF  }
0xbf: {  	[dreg:$0x0] =	wrdreg $0xFFFFFFFF;
	(pc) =	sbr.abs _section_cstart, $3  }
0xc0: {  	[dreg:$0x1] =	wrdreg $0xFFFFFFFF  }
0xc1: {  	_ =	task.clear_ibuf [dreg:s7], $0x2FFFF;
	_ =	strace $0x9FFFFFFF  }
0xc2: {  	(tm) =	ssettm $0x7FFFFFFF  }
0xc3: {  	_ =	shalt  }
tec
execute0_lowered:
.L_overlay_start_1:
0x0: {  	(tag) =	ssettag $0x1  }
0x1: {  	s1 =	srdreg.scid;
	s5 =	rddreg [dreg:$0x0]  }
0x2: {  	s0 =	stileid.u32;
	s7 =	rddreg [dreg:$0x1];
	s2 =	simm.s32 $0x0  }
0x3: {  	s10 =	simm.s32 $0x1;
	s11 =	simm.s32 $0xC800;
	s12 =	simm.s32 $0x0  }
0x4: {  	s3 =	sand.u32 $0x1, s1;
	s26 =	sshll.u32 s0, $0x1;
	s1 =	rddreg [dreg:$0x2]  }
0x5: {  	s28 =	sshrl.u32 s0, $0x2;
	[smem:$0x7FF] =	sst s2;
	s4 =	sor.u32 s3, s26  }
0x6: {  	s6 =	smul.u32 $0x32000, s28;
	s30 =	ssub.s32 $0x2, s3;
	s29 =	sshll.u32 s4, $0x7  }
0x7: {  	_ =	strace $0x80000047;
	s3 =	sadd.s32 $0x19600, s5;
	s8 =	sand.u32 $0x380, s29  }
0x8: {  	s9 =	sshrl.u32 s30, $0x1;
	s31 =	sshll.u32 s4, $0x6;
	s6 =	sor.u32 s6, s8  }
0x9: {  	s8 =	ssub.s32 s30, s9;
	s9 =	simm.s32 $0x2;
	s6 =	sshrl.u32 s6, $0x3  }
0xa: {  	s6 =	sadd.s32 s6, s5;
	s5 =	sadd.s32 s7, s31;
	s7 =	simm.s32 $0x80  }
0xb: {  	s4 =	sadd.s32 $0x600, s6;
	s6 =	smax.u32 s8, $0x1;
	s8 =	simm.s32 $0x400  }
.LBB2_1:
0xc: {  	[tilespmem:s2], [sflag:$0x2] =	stream.strided.gather [hbm4b:s4+s7], $0x6400, s8, s7, $0x38;
	[tilespmem:$0xCA00] =	vst v63  }
0xd: {  	_ =	swait.ge [sflag:s9], $0x6400  }
0xe: {  	[sflag:s9] =	ssyncset.done $0x0  }
0xf: {  	s13 =	simm.s32 $0x6400;
	[sflag:s9] =	ssyncadd.s32 $0xFFFF9C00  }
0x10: {  	[tilespmem:s13], [sflag:$0x1] =	stream.indirect.gather [hbm4b:s3+s13], $0x1, s2, s13, $0xb8;
	[tilespmem:$0xCA00] =	vst v63  }
0x11: {  	_ =	swait.ge [sflag:s10], $0x6400  }
0x12: {  	[sflag:s10] =	ssyncset.done $0x0  }
0x13: {  	[sflag:s10] =	ssyncadd.s32 $0xFFFF9C00  }
0x14: {  	v0 =	vld [tilespmem:s13+$0x0]  }
0x15: {  	s31 =	sand.u32 $0x1F0, s2  }
0x16: {  	v1 =	vld [tilespmem:s31+$0x6600];
	_ =	sdelay $0x1  }
0x17: {  	v2 =	vld [tilespmem:s31+$0x6800]  }
0x18: {  	v0 =	vadd.f32 $0.0e+00, v0  }
0x19: {  	v3 =	vld [tilespmem:s31+$0x6A00]  }
0x1a: {  	v0 =	vadd.f32 v1, v0  }
0x1b: {  	v1 =	vld [tilespmem:s31+$0x6C00]  }
0x1c: {  	v0 =	vadd.f32 v2, v0  }
0x1d: {  	v2 =	vld [tilespmem:s31+$0x6E00]  }
0x1e: {  	v0 =	vadd.f32 v3, v0  }
0x1f: {  	v3 =	vld [tilespmem:s31+$0x7000]  }
0x20: {  	v0 =	vadd.f32 v1, v0  }
0x21: {  	v1 =	vld [tilespmem:s31+$0x7200]  }
0x22: {  	v0 =	vadd.f32 v2, v0  }
0x23: {  	v2 =	vld [tilespmem:s31+$0x7400]  }
0x24: {  	v0 =	vadd.f32 v3, v0  }
0x25: {  	v3 =	vld [tilespmem:s31+$0x7600]  }
0x26: {  	v0 =	vadd.f32 v1, v0  }
0x27: {  	v1 =	vld [tilespmem:s31+$0x7800]  }
0x28: {  	v0 =	vadd.f32 v2, v0  }
0x29: {  	v2 =	vld [tilespmem:s31+$0x7A00]  }
0x2a: {  	v0 =	vadd.f32 v3, v0  }
0x2b: {  	v3 =	vld [tilespmem:s31+$0x7C00]  }
0x2c: {  	v0 =	vadd.f32 v1, v0  }
0x2d: {  	v1 =	vld [tilespmem:s31+$0x7E00]  }
0x2e: {  	v0 =	vadd.f32 v2, v0  }
0x2f: {  	v2 =	vld [tilespmem:s31+$0x8000]  }
0x30: {  	v0 =	vadd.f32 v3, v0  }
0x31: {  	v3 =	vld [tilespmem:s31+$0x8200]  }
0x32: {  	v0 =	vadd.f32 v1, v0  }
0x33: {  	v1 =	vld [tilespmem:s31+$0x8400]  }
0x34: {  	v0 =	vadd.f32 v2, v0  }
0x35: {  	v2 =	vld [tilespmem:s31+$0x8600]  }
0x36: {  	v0 =	vadd.f32 v3, v0  }
0x37: {  	v3 =	vld [tilespmem:s31+$0x8800]  }
0x38: {  	v0 =	vadd.f32 v1, v0  }
0x39: {  	v1 =	vld [tilespmem:s31+$0x8A00]  }
0x3a: {  	v0 =	vadd.f32 v2, v0  }
0x3b: {  	v2 =	vld [tilespmem:s31+$0x8C00]  }
0x3c: {  	v0 =	vadd.f32 v3, v0  }
0x3d: {  	v3 =	vld [tilespmem:s31+$0x8E00]  }
0x3e: {  	v0 =	vadd.f32 v1, v0  }
0x3f: {  	v1 =	vld [tilespmem:s31+$0x9000]  }
0x40: {  	v0 =	vadd.f32 v2, v0  }
0x41: {  	v2 =	vld [tilespmem:s31+$0x9200]  }
0x42: {  	v0 =	vadd.f32 v3, v0  }
0x43: {  	v3 =	vld [tilespmem:s31+$0x9400]  }
0x44: {  	v0 =	vadd.f32 v1, v0  }
0x45: {  	v1 =	vld [tilespmem:s31+$0x9600]  }
0x46: {  	v0 =	vadd.f32 v2, v0  }
0x47: {  	v2 =	vld [tilespmem:s31+$0x9800]  }
0x48: {  	v0 =	vadd.f32 v3, v0  }
0x49: {  	v3 =	vld [tilespmem:s31+$0x9A00]  }
0x4a: {  	v0 =	vadd.f32 v1, v0  }
0x4b: {  	v1 =	vld [tilespmem:s31+$0x9C00]  }
0x4c: {  	v0 =	vadd.f32 v2, v0  }
0x4d: {  	v2 =	vld [tilespmem:s31+$0x9E00]  }
0x4e: {  	v0 =	vadd.f32 v3, v0  }
0x4f: {  	v3 =	vld [tilespmem:s31+$0xA000]  }
0x50: {  	v0 =	vadd.f32 v1, v0  }
0x51: {  	v1 =	vld [tilespmem:s31+$0xA200]  }
0x52: {  	v0 =	vadd.f32 v2, v0  }
0x53: {  	v2 =	vld [tilespmem:s31+$0xA400]  }
0x54: {  	v0 =	vadd.f32 v3, v0  }
0x55: {  	v3 =	vld [tilespmem:s31+$0xA600]  }
0x56: {  	v0 =	vadd.f32 v1, v0  }
0x57: {  	v1 =	vld [tilespmem:s31+$0xA800]  }
0x58: {  	v0 =	vadd.f32 v2, v0  }
0x59: {  	v2 =	vld [tilespmem:s31+$0xAA00]  }
0x5a: {  	v0 =	vadd.f32 v3, v0  }
0x5b: {  	v3 =	vld [tilespmem:s31+$0xAC00]  }
0x5c: {  	v0 =	vadd.f32 v1, v0  }
0x5d: {  	v1 =	vld [tilespmem:s31+$0xAE00]  }
0x5e: {  	v0 =	vadd.f32 v2, v0  }
0x5f: {  	v2 =	vld [tilespmem:s31+$0xB000]  }
0x60: {  	v0 =	vadd.f32 v3, v0  }
0x61: {  	v3 =	vld [tilespmem:s31+$0xB200]  }
0x62: {  	v0 =	vadd.f32 v1, v0  }
0x63: {  	v1 =	vld [tilespmem:s31+$0xB400]  }
0x64: {  	v0 =	vadd.f32 v2, v0  }
0x65: {  	v2 =	vld [tilespmem:s31+$0xB600]  }
0x66: {  	v0 =	vadd.f32 v3, v0  }
0x67: {  	v3 =	vld [tilespmem:s31+$0xB800]  }
0x68: {  	v0 =	vadd.f32 v1, v0  }
0x69: {  	v1 =	vld [tilespmem:s31+$0xBA00]  }
0x6a: {  	v0 =	vadd.f32 v2, v0  }
0x6b: {  	v2 =	vld [tilespmem:s31+$0xBC00]  }
0x6c: {  	v0 =	vadd.f32 v3, v0  }
0x6d: {  	v3 =	vld [tilespmem:s31+$0xBE00]  }
0x6e: {  	v0 =	vadd.f32 v1, v0  }
0x6f: {  	v1 =	vld [tilespmem:s31+$0xC000]  }
0x70: {  	v0 =	vadd.f32 v2, v0  }
0x71: {  	v2 =	vld [tilespmem:s31+$0xC200]  }
0x72: {  	v0 =	vadd.f32 v3, v0  }
0x73: {  	v3 =	vld [tilespmem:s31+$0xC400]  }
0x74: {  	v0 =	vadd.f32 v1, v0  }
0x75: {  	v1 =	vld [tilespmem:s31+$0xC600]  }
0x76: {  	v0 =	vadd.f32 v2, v0;
	_ =	sdelay $0x1  }
0x77: {  	v0 =	vadd.f32 v3, v0;
	_ =	sdelay $0x1  }
0x78: {  	v0 =	vadd.f32 v1, v0;
	_ =	sdelay $0x1  }
0x79: {  	s14 =	simm.s32 $0x6410;
	[tilespmem:s11+$0x0] =	vst v0  }
0x7a: {  	s15 =	simm.s32 $0x10;
	s16 =	simm.s32 $0x20;
	s13 =	simm.s32 $0xC800;
	v0 =	vld [tilespmem:s14+$0x0]  }
.LBB2_2:
0x7b: {  	p0 =	sne.s32 s16, $0x1F0;
	s17 =	sand.u32 $0x1F0, s15;
	s15 =	smov.u32 s16  }
0x7c: {  	v1 =	vld [tilespmem:s17+$0x6600];
	_ =	sdelay $0x1  }
0x7d: {  	v2 =	vld [tilespmem:s17+$0x6800]  }
0x7e: {  	v0 =	vadd.f32 $0.0e+00, v0  }
0x7f: {  	v3 =	vld [tilespmem:s17+$0x6A00]  }
0x80: {  	v0 =	vadd.f32 v1, v0  }
0x81: {  	v1 =	vld [tilespmem:s17+$0x6C00]  }
0x82: {  	v0 =	vadd.f32 v2, v0  }
0x83: {  	v2 =	vld [tilespmem:s17+$0x6E00]  }
0x84: {  	v0 =	vadd.f32 v3, v0  }
0x85: {  	v3 =	vld [tilespmem:s17+$0x7000]  }
0x86: {  	v0 =	vadd.f32 v1, v0  }
0x87: {  	v1 =	vld [tilespmem:s17+$0x7200]  }
0x88: {  	v0 =	vadd.f32 v2, v0  }
0x89: {  	v2 =	vld [tilespmem:s17+$0x7400]  }
0x8a: {  	v0 =	vadd.f32 v3, v0  }
0x8b: {  	v3 =	vld [tilespmem:s17+$0x7600]  }
0x8c: {  	v0 =	vadd.f32 v1, v0  }
0x8d: {  	v1 =	vld [tilespmem:s17+$0x7800]  }
0x8e: {  	v0 =	vadd.f32 v2, v0  }
0x8f: {  	v2 =	vld [tilespmem:s17+$0x7A00]  }
0x90: {  	v0 =	vadd.f32 v3, v0  }
0x91: {  	v3 =	vld [tilespmem:s17+$0x7C00]  }
0x92: {  	v0 =	vadd.f32 v1, v0  }
0x93: {  	v1 =	vld [tilespmem:s17+$0x7E00]  }
0x94: {  	v0 =	vadd.f32 v2, v0  }
0x95: {  	v2 =	vld [tilespmem:s17+$0x8000]  }
0x96: {  	v0 =	vadd.f32 v3, v0  }
0x97: {  	v3 =	vld [tilespmem:s17+$0x8200]  }
0x98: {  	v0 =	vadd.f32 v1, v0  }
0x99: {  	v1 =	vld [tilespmem:s17+$0x8400]  }
0x9a: {  	v0 =	vadd.f32 v2, v0  }
0x9b: {  	v2 =	vld [tilespmem:s17+$0x8600]  }
0x9c: {  	v0 =	vadd.f32 v3, v0  }
0x9d: {  	v3 =	vld [tilespmem:s17+$0x8800]  }
0x9e: {  	v0 =	vadd.f32 v1, v0  }
0x9f: {  	v1 =	vld [tilespmem:s17+$0x8A00]  }
0xa0: {  	v0 =	vadd.f32 v2, v0  }
0xa1: {  	v2 =	vld [tilespmem:s17+$0x8C00]  }
0xa2: {  	v0 =	vadd.f32 v3, v0  }
0xa3: {  	v3 =	vld [tilespmem:s17+$0x8E00]  }
0xa4: {  	v0 =	vadd.f32 v1, v0  }
0xa5: {  	v1 =	vld [tilespmem:s17+$0x9000]  }
0xa6: {  	v0 =	vadd.f32 v2, v0  }
0xa7: {  	v2 =	vld [tilespmem:s17+$0x9200]  }
0xa8: {  	v0 =	vadd.f32 v3, v0  }
0xa9: {  	v3 =	vld [tilespmem:s17+$0x9400]  }
0xaa: {  	v0 =	vadd.f32 v1, v0  }
0xab: {  	v1 =	vld [tilespmem:s17+$0x9600]  }
0xac: {  	v0 =	vadd.f32 v2, v0  }
0xad: {  	v2 =	vld [tilespmem:s17+$0x9800]  }
0xae: {  	v0 =	vadd.f32 v3, v0  }
0xaf: {  	v3 =	vld [tilespmem:s17+$0x9A00]  }
0xb0: {  	v0 =	vadd.f32 v1, v0  }
0xb1: {  	v1 =	vld [tilespmem:s17+$0x9C00]  }
0xb2: {  	v0 =	vadd.f32 v2, v0  }
0xb3: {  	v2 =	vld [tilespmem:s17+$0x9E00]  }
0xb4: {  	v0 =	vadd.f32 v3, v0  }
0xb5: {  	v3 =	vld [tilespmem:s17+$0xA000]  }
0xb6: {  	v0 =	vadd.f32 v1, v0  }
0xb7: {  	v1 =	vld [tilespmem:s17+$0xA200]  }
0xb8: {  	v0 =	vadd.f32 v2, v0  }
0xb9: {  	v2 =	vld [tilespmem:s17+$0xA400]  }
0xba: {  	v0 =	vadd.f32 v3, v0  }
0xbb: {  	v3 =	vld [tilespmem:s17+$0xA600]  }
0xbc: {  	v0 =	vadd.f32 v1, v0  }
0xbd: {  	v1 =	vld [tilespmem:s17+$0xA800]  }
0xbe: {  	v0 =	vadd.f32 v2, v0  }
0xbf: {  	v2 =	vld [tilespmem:s17+$0xAA00]  }
0xc0: {  	v0 =	vadd.f32 v3, v0  }
0xc1: {  	v3 =	vld [tilespmem:s17+$0xAC00]  }
0xc2: {  	v0 =	vadd.f32 v1, v0  }
0xc3: {  	v1 =	vld [tilespmem:s17+$0xAE00]  }
0xc4: {  	v0 =	vadd.f32 v2, v0  }
0xc5: {  	v2 =	vld [tilespmem:s17+$0xB000]  }
0xc6: {  	v0 =	vadd.f32 v3, v0  }
0xc7: {  	v3 =	vld [tilespmem:s17+$0xB200]  }
0xc8: {  	v0 =	vadd.f32 v1, v0  }
0xc9: {  	v1 =	vld [tilespmem:s17+$0xB400]  }
0xca: {  	v0 =	vadd.f32 v2, v0  }
0xcb: {  	v2 =	vld [tilespmem:s17+$0xB600]  }
0xcc: {  	v0 =	vadd.f32 v3, v0  }
0xcd: {  	v3 =	vld [tilespmem:s17+$0xB800]  }
0xce: {  	v0 =	vadd.f32 v1, v0  }
0xcf: {  	v1 =	vld [tilespmem:s17+$0xBA00]  }
0xd0: {  	v0 =	vadd.f32 v2, v0  }
0xd1: {  	v2 =	vld [tilespmem:s17+$0xBC00]  }
0xd2: {  	v0 =	vadd.f32 v3, v0  }
0xd3: {  	v3 =	vld [tilespmem:s17+$0xBE00]  }
0xd4: {  	v0 =	vadd.f32 v1, v0  }
0xd5: {  	v1 =	vld [tilespmem:s17+$0xC000]  }
0xd6: {  	v0 =	vadd.f32 v2, v0  }
0xd7: {  	v2 =	vld [tilespmem:s17+$0xC200]  }
0xd8: {  	v0 =	vadd.f32 v3, v0  }
0xd9: {  	v3 =	vld [tilespmem:s17+$0xC400]  }
0xda: {  	v0 =	vadd.f32 v1, v0  }
0xdb: {  	v1 =	vld [tilespmem:s17+$0xC600]  }
0xdc: {  	v0 =	vadd.f32 v2, v0;
	_ =	sdelay $0x1  }
0xdd: {  	v0 =	vadd.f32 v3, v0  }
.Ltmp0:
0xde: {  	(pc) =	sbr.rel @p0 .LBB2_2-.Ltmp0, $4  }
0xdf: {  	v0 =	vadd.f32 v1, v0  }
0xe0: {  	s13 =	sadd.s32 $0x10, s13  }
0xe1: {  	s14 =	sadd.s32 $0x10, s14;
	[tilespmem:s13+$0x0] =	vst v0  }
0xe2: {  	s16 =	sadd.s32 $0x10, s16;
	v0 =	vld [tilespmem:s14+$0x0]  }
0xe3: {  	s14 =	sand.u32 $0x1F0, s15  }
0xe4: {  	v1 =	vld [tilespmem:s14+$0x6600];
	_ =	sdelay $0x1  }
0xe5: {  	v2 =	vld [tilespmem:s14+$0x6800]  }
0xe6: {  	v0 =	vadd.f32 $0.0e+00, v0  }
0xe7: {  	v3 =	vld [tilespmem:s14+$0x6A00]  }
0xe8: {  	v0 =	vadd.f32 v1, v0  }
0xe9: {  	v18 =	vld [tilespmem:s14+$0x6C00]  }
0xea: {  	v0 =	vadd.f32 v2, v0  }
0xeb: {  	v19 =	vld [tilespmem:s14+$0x6E00]  }
0xec: {  	v0 =	vadd.f32 v3, v0  }
0xed: {  	v20 =	vld [tilespmem:s14+$0x7000]  }
0xee: {  	v0 =	vadd.f32 v18, v0  }
0xef: {  	v21 =	vld [tilespmem:s14+$0x7200]  }
0xf0: {  	v0 =	vadd.f32 v19, v0  }
0xf1: {  	v22 =	vld [tilespmem:s14+$0x7400]  }
0xf2: {  	v0 =	vadd.f32 v20, v0  }
0xf3: {  	v23 =	vld [tilespmem:s14+$0x7600]  }
0xf4: {  	v0 =	vadd.f32 v21, v0  }
0xf5: {  	v24 =	vld [tilespmem:s14+$0x7800]  }
0xf6: {  	v0 =	vadd.f32 v22, v0  }
0xf7: {  	v25 =	vld [tilespmem:s14+$0x7A00]  }
0xf8: {  	v0 =	vadd.f32 v23, v0  }
0xf9: {  	v26 =	vld [tilespmem:s14+$0x7C00]  }
0xfa: {  	v0 =	vadd.f32 v24, v0  }
0xfb: {  	v27 =	vld [tilespmem:s14+$0x7E00]  }
0xfc: {  	v0 =	vadd.f32 v25, v0  }
0xfd: {  	v28 =	vld [tilespmem:s14+$0x8000]  }
0xfe: {  	v0 =	vadd.f32 v26, v0  }
0xff: {  	v29 =	vld [tilespmem:s14+$0x8200]  }
0x100: {  	v0 =	vadd.f32 v27, v0  }
0x101: {  	v30 =	vld [tilespmem:s14+$0x8400]  }
0x102: {  	v0 =	vadd.f32 v28, v0  }
0x103: {  	v31 =	vld [tilespmem:s14+$0x8600]  }
0x104: {  	v0 =	vadd.f32 v29, v0  }
0x105: {  	v32 =	vld [tilespmem:s14+$0x8800]  }
0x106: {  	v0 =	vadd.f32 v30, v0  }
0x107: {  	v33 =	vld [tilespmem:s14+$0x8A00]  }
0x108: {  	v0 =	vadd.f32 v31, v0  }
0x109: {  	v34 =	vld [tilespmem:s14+$0x8C00]  }
0x10a: {  	v0 =	vadd.f32 v32, v0  }
0x10b: {  	v35 =	vld [tilespmem:s14+$0x8E00]  }
0x10c: {  	v0 =	vadd.f32 v33, v0  }
0x10d: {  	v36 =	vld [tilespmem:s14+$0x9000]  }
0x10e: {  	v0 =	vadd.f32 v34, v0  }
0x10f: {  	v37 =	vld [tilespmem:s14+$0x9200]  }
0x110: {  	v0 =	vadd.f32 v35, v0  }
0x111: {  	v38 =	vld [tilespmem:s14+$0x9400]  }
0x112: {  	v0 =	vadd.f32 v36, v0  }
0x113: {  	v39 =	vld [tilespmem:s14+$0x9600]  }
0x114: {  	v0 =	vadd.f32 v37, v0  }
0x115: {  	v40 =	vld [tilespmem:s14+$0x9800]  }
0x116: {  	v0 =	vadd.f32 v38, v0  }
0x117: {  	v41 =	vld [tilespmem:s14+$0x9A00]  }
0x118: {  	v0 =	vadd.f32 v39, v0  }
0x119: {  	v42 =	vld [tilespmem:s14+$0x9C00]  }
0x11a: {  	v0 =	vadd.f32 v40, v0  }
0x11b: {  	v43 =	vld [tilespmem:s14+$0x9E00]  }
0x11c: {  	v0 =	vadd.f32 v41, v0  }
0x11d: {  	v44 =	vld [tilespmem:s14+$0xA000]  }
0x11e: {  	v0 =	vadd.f32 v42, v0  }
0x11f: {  	v45 =	vld [tilespmem:s14+$0xA200]  }
0x120: {  	v0 =	vadd.f32 v43, v0  }
0x121: {  	v46 =	vld [tilespmem:s14+$0xA400]  }
0x122: {  	v0 =	vadd.f32 v44, v0  }
0x123: {  	v47 =	vld [tilespmem:s14+$0xA600]  }
0x124: {  	v0 =	vadd.f32 v45, v0  }
0x125: {  	v48 =	vld [tilespmem:s14+$0xA800]  }
0x126: {  	v0 =	vadd.f32 v46, v0  }
0x127: {  	v49 =	vld [tilespmem:s14+$0xAA00]  }
0x128: {  	v0 =	vadd.f32 v47, v0  }
0x129: {  	v50 =	vld [tilespmem:s14+$0xAC00]  }
0x12a: {  	v0 =	vadd.f32 v48, v0  }
0x12b: {  	v51 =	vld [tilespmem:s14+$0xAE00]  }
0x12c: {  	v0 =	vadd.f32 v49, v0  }
0x12d: {  	v52 =	vld [tilespmem:s14+$0xB000]  }
0x12e: {  	v0 =	vadd.f32 v50, v0  }
0x12f: {  	v53 =	vld [tilespmem:s14+$0xB200]  }
0x130: {  	v0 =	vadd.f32 v51, v0  }
0x131: {  	v54 =	vld [tilespmem:s14+$0xB400]  }
0x132: {  	v0 =	vadd.f32 v52, v0  }
0x133: {  	v55 =	vld [tilespmem:s14+$0xB600]  }
0x134: {  	v0 =	vadd.f32 v53, v0  }
0x135: {  	v56 =	vld [tilespmem:s14+$0xB800]  }
0x136: {  	v0 =	vadd.f32 v54, v0  }
0x137: {  	v57 =	vld [tilespmem:s14+$0xBA00]  }
0x138: {  	v0 =	vadd.f32 v55, v0  }
0x139: {  	v58 =	vld [tilespmem:s14+$0xBC00]  }
0x13a: {  	v0 =	vadd.f32 v56, v0  }
0x13b: {  	v59 =	vld [tilespmem:s14+$0xBE00]  }
0x13c: {  	v0 =	vadd.f32 v57, v0  }
0x13d: {  	v60 =	vld [tilespmem:s14+$0xC000]  }
0x13e: {  	v0 =	vadd.f32 v58, v0  }
0x13f: {  	v61 =	vld [tilespmem:s14+$0xC200]  }
0x140: {  	v0 =	vadd.f32 v59, v0  }
0x141: {  	v62 =	vld [tilespmem:s14+$0xC400]  }
0x142: {  	v0 =	vadd.f32 v60, v0  }
0x143: {  	v63 =	vld [tilespmem:s14+$0xC600]  }
0x144: {  	v0 =	vadd.f32 v61, v0;
	_ =	sdelay $0x1  }
0x145: {  	v0 =	vadd.f32 v62, v0;
	_ =	sdelay $0x1  }
0x146: {  	s12 =	sadd.s32 $0x1, s12;
	v0 =	vadd.f32 v63, v0  }
0x147: {  	s13 =	sadd.s32 $0x10, s13;
	p0 =	sne.s32 s12, s6  }
.Ltmp1:
0x148: {  	[tilespmem:s13+$0x0] =	vst v0;
	(pc) =	sbr.rel @p0 .LBB2_1-.Ltmp1, $4  }
0x149: {  	[hbm4b:s5+s2] =	stream.linear.scatter [tilespmem:s11], [sflag:$0x2], $0x200, $0x38;
	[tilespmem:$0xCA00] =	vst v63  }
0x14a: {  	_ =	swait.ge [sflag:s9], $0x200  }
0x14b: {  	[sflag:s9] =	ssyncset.done $0x0  }
0x14c: {  	[sflag:s9] =	ssyncadd.s32 $0xFFFFFE00  }
0x14d: {  	_ =	sfence.sel $0x180000  }
0x14e: {  	[bflag:$0x0] =	sbarrier.arrive $0xFFFF  }
0x14f: {  	p0 =	sne.s32 s0, $0x0;
	_ =	strace $0x90000047  }
0x150: {  	s0 =	sadd.s32 @!p0 $0x100000, s1;
	[bflag:$0x2] =	sbarrier.arrive $0xFFFF  }
0x151: {  	[sflag:s0] =	ssyncadd.tile.s32 @!p0 $0x1;
	_ =	shalt  }
.Lfunc_end2:
_tile_overlayer_lowered:
.L_overlay_start_2:
0x152: {  	(tag) =	ssettag $0x2  }
0x153: {  	s0 =	rddreg [dreg:$0x0];
	s2 =	stileid.u32  }
0x154: {  	s1 =	rddreg [dreg:$0x1];
	p0 =	sne.s32 s2, $0x0  }
0x155: {  	s3 =	rddreg [dreg:$0x2];
	[bflag:$0x3] =	sbarrier.arrive $0xFFFF;
	s2 =	simm.s32 @!p0 $0x1C02  }
0x156: {  	[timem:s3], [sflag:s2] =	dma.local @!p0 [hbm:s0], s1  }
0x157: {  	s0 =	simm.s32 @!p0 $0x2  }
0x158: {  	_ =	swait.ge @!p0 [sflag:s0], s1  }
0x159: {  	s1 =	ssub.s32 @!p0 $0x0, s1;
	[sflag:s0] =	ssyncset.done @!p0 $0x0  }
0x15a: {  	[sflag:s0] =	ssyncadd.s32 @!p0 s1  }
0x15b: {  	[bflag:$0x3] =	sbarrier.arrive $0xFFFF  }
0x15c: {  	_ =	shalt  }

</sc_bundles>
